<compile_context>
chip_gen: v7x
topology: tpu7x:2x2x1
jax: 0.10.2.dev20260603
libtpu: 0.0.44.dev20260713+nightly
codegen_flags: <defaults>
</compile_context>

<pallas_src>
import jax
import jax.numpy as jnp
from jax.experimental import pallas as pl
from jax.experimental.pallas import tpu as pltpu

_G = 1000
_B = 512
_K = 64
_L = 2 * _K


def _matmul_body(a_ref, x_ref, o_ref):
    o_ref[...] = jnp.dot(a_ref[...], x_ref[...].astype(jnp.bfloat16),
                         preferred_element_type=jnp.float32
                         ).astype(jnp.bfloat16)


def _fused_body(s_ref, bd1_ref, bd2_ref, bd3_ref, mred_ref,
                gam_ref, bet_ref, x_ref, ng_ref, o_ref):
    gb = x_ref.shape[0]
    np_ = gb // 2
    s = s_ref[...]
    mred = mred_ref[...]
    gam = gam_ref[...]
    bet = bet_ref[...]

    x2 = jnp.concatenate(
        [jnp.concatenate([x_ref[2 * j], x_ref[2 * j + 1]], axis=1)
         for j in range(np_)], axis=0)
    x2h = x2.astype(jnp.bfloat16)
    ng2h = jnp.concatenate(
        [jnp.concatenate([ng_ref[2 * j], ng_ref[2 * j + 1]], axis=1)
         for j in range(np_)], axis=0)

    lin = jnp.dot(x2h, bd1_ref[...], preferred_element_type=jnp.float32)
    lin = lin + jnp.dot(ng2h, bd2_ref[...], preferred_element_type=jnp.float32)
    p = jnp.dot(x2h, bd3_ref[...], preferred_element_type=jnp.float32)

    ph = p.astype(jnp.bfloat16)
    ns = jnp.concatenate(
        [jnp.dot(s, ph[_B * j:_B * (j + 1)], preferred_element_type=jnp.float32)
         for j in range(np_)], axis=0)

    h = jax.nn.relu(lin + ns)
    r = x2 + h

    mu = jnp.dot(r, mred, preferred_element_type=jnp.float32)
    var = jnp.dot(r * r, mred, preferred_element_type=jnp.float32) - mu * mu
    o = (r - mu) * jax.lax.rsqrt(var + 1e-5) * gam + bet
    for j in range(np_):
        ob = o[_B * j:_B * (j + 1)]
        o_ref[2 * j] = ob[:, :_K]
        o_ref[2 * j + 1] = ob[:, _K:]


def kernel(x, adj_norm, adj_spatial_norm, weight, ln_gamma, ln_beta):
    g, bk = x.shape
    cn = 2048
    ng = pl.pallas_call(
        _matmul_body,
        grid=(bk // cn,),
        in_specs=[
            pl.BlockSpec((g, g), lambda j: (0, 0)),
            pl.BlockSpec((g, cn), lambda j: (0, j)),
        ],
        out_specs=pl.BlockSpec((g, cn), lambda j: (0, j)),
        out_shape=jax.ShapeDtypeStruct((g, bk), jnp.bfloat16),
        compiler_params=pltpu.CompilerParams(
            dimension_semantics=("arbitrary",),
        ),
    )(adj_norm.astype(jnp.bfloat16), x)

    sbf = adj_spatial_norm.astype(jnp.bfloat16)
    z = jnp.zeros((_K, _K), jnp.float32)
    w1, w2, w3 = weight[:_K], weight[_K:2 * _K], weight[2 * _K:]
    bd1 = jnp.block([[w1, z], [z, w1]]).astype(jnp.bfloat16)
    bd2 = jnp.block([[w2, z], [z, w2]]).astype(jnp.bfloat16)
    bd3 = jnp.block([[w3, z], [z, w3]]).astype(jnp.bfloat16)
    o = jnp.full((_K, _K), 1.0 / _K, jnp.float32)
    mred = jnp.block([[o, z], [z, o]])
    gam2 = jnp.concatenate([ln_gamma, ln_gamma]).reshape(1, _L)
    bet2 = jnp.concatenate([ln_beta, ln_beta]).reshape(1, _L)

    x3 = x.reshape(g, _B, _K)
    ng3 = ng.reshape(g, _B, _K)

    gblk = 8
    out = pl.pallas_call(
        _fused_body,
        grid=(g // gblk,),
        in_specs=[
            pl.BlockSpec((_B, _B), lambda i: (0, 0)),
            pl.BlockSpec((_L, _L), lambda i: (0, 0)),
            pl.BlockSpec((_L, _L), lambda i: (0, 0)),
            pl.BlockSpec((_L, _L), lambda i: (0, 0)),
            pl.BlockSpec((_L, _L), lambda i: (0, 0)),
            pl.BlockSpec((1, _L), lambda i: (0, 0)),
            pl.BlockSpec((1, _L), lambda i: (0, 0)),
            pl.BlockSpec((gblk, _B, _K), lambda i: (i, 0, 0)),
            pl.BlockSpec((gblk, _B, _K), lambda i: (i, 0, 0)),
        ],
        out_specs=pl.BlockSpec((gblk, _B, _K), lambda i: (i, 0, 0)),
        out_shape=jax.ShapeDtypeStruct((g, _B, _K), jnp.float32),
        compiler_params=pltpu.CompilerParams(
            dimension_semantics=("arbitrary",),
        ),
    )(sbf, bd1, bd2, bd3, mred, gam2, bet2, x3, ng3)
    return out.reshape(g, bk)

# --- scband reference (transcript-rebuilt; emitter-appended) ---
"""Pipeline reference for scband-gsblock-87454124081801 (READ-ONLY COPY).

The authoritative reference and input builder live on the scoring server;
editing this copy changes nothing except your own understanding.
"""

import jax, jax.numpy as jnp
import numpy as np

G = 1000
B = 512
K_IN = 64
K_OUT = 64


def setup_inputs(seed: int = 0) -> dict:
    key = jax.random.key(seed)
    k1, k2, k3, k4 = jax.random.split(key, 4)
    x = jax.random.normal(k1, (G, B * K_IN), dtype=jnp.float32)
    adj = jax.random.uniform(k2, (G, G), dtype=jnp.float32)
    adj_norm = adj / jnp.sum(adj, axis=1, keepdims=True)
    adj_s = jax.random.uniform(k3, (B, B), dtype=jnp.float32)
    adj_spatial_norm = adj_s / jnp.sum(adj_s, axis=1, keepdims=True)
    weight = jax.random.normal(k4, (K_IN * 3, K_OUT), dtype=jnp.float32) * (1.0 / np.sqrt(K_IN * 3))
    ln_gamma = jnp.ones((K_OUT,), dtype=jnp.float32)
    ln_beta = jnp.zeros((K_OUT,), dtype=jnp.float32)
    return {
        "x": x,
        "adj_norm": adj_norm,
        "adj_spatial_norm": adj_spatial_norm,
        "weight": weight,
        "ln_gamma": ln_gamma,
        "ln_beta": ln_beta,
    }


def _layer_norm(h, gamma, beta, eps=1e-5):
    mu = jnp.mean(h, axis=-1, keepdims=True)
    var = jnp.mean((h - mu) ** 2, axis=-1, keepdims=True)
    return (h - mu) / jnp.sqrt(var + eps) * gamma + beta


def reference(x, adj_norm, adj_spatial_norm, weight, ln_gamma, ln_beta):
    k_in, k_out = K_IN, K_OUT
    # gene-graph message passing: (G,G) @ (G, B*k_in)
    neigh_g = adj_norm @ x
    g, bk = x.shape
    b = bk // k_in
    # spatial-graph message passing across spots
    F_t = jnp.transpose(x.reshape(g, b, k_in), (1, 0, 2))  # (B, G, k_in)
    Ms = (adj_spatial_norm @ F_t.reshape(b, g * k_in)).reshape(b, g, k_in)
    neigh_s = jnp.transpose(Ms, (1, 0, 2)).reshape(g, b * k_in)
    # GraphSAGE-style concat update
    x_rs = x.reshape(g * b, k_in)
    ng_rs = neigh_g.reshape(g * b, k_in)
    ns_rs = neigh_s.reshape(g * b, k_in)
    combined = jnp.concatenate([x_rs, ng_rs, ns_rs], axis=1)
    out = combined @ weight  # dropout p=0.0 -> identity
    out = jax.nn.relu(out)
    res = x_rs  # k_in == k_out -> no res_proj
    out = _layer_norm(res + out, ln_gamma, ln_beta)
    out = out.reshape(g, b * k_out)
    return out

if __name__ == "__main__":
    import jax
    _d = setup_inputs()
    print(jax.jit(kernel)(*tuple(_d.values())))

</pallas_src>

<mosaic_0001>
module attributes {stable_mosaic.version = 14 : i64} {
  func.func @_matmul_body(%arg0: i32, %arg1: memref<1000x1000xbf16, #tpu.memory_space<vmem>>, %arg2: memref<1000x2048xf32, #tpu.memory_space<vmem>>, %arg3: memref<1000x2048xbf16, #tpu.memory_space<vmem>>) attributes {dimension_semantics = [#tpu.dimension_semantics<arbitrary>], iteration_bounds = array<i64: 16>, scalar_prefetch = 0 : i64, scratch_operands = 0 : i64, tpu.core_type = #tpu.core_type<tc>, window_params = [{pipeline_mode = #tpu.pipeline_mode<synchronous>, transform_indices = @transform_0, window_bounds = array<i64: 1000, 1000>}, {transform_indices = @transform_1, window_bounds = array<i64: 1000, 2048>}, {transform_indices = @transform_2, window_bounds = array<i64: 1000, 2048>}]} {
    %get3A = arith.constant 0 : index
    %get3A_0 = arith.constant 0 : index
    %get3A_1 = vector.load %arg1[%get3A, %get3A_0] : memref<1000x1000xbf16, #tpu.memory_space<vmem>>, vector<1000x1000xbf16>
    %get3A_2 = arith.constant 0 : index
    %get3A_3 = arith.constant 0 : index
    %get3A_4 = vector.load %arg2[%get3A_2, %get3A_3] : memref<1000x2048xf32, #tpu.memory_space<vmem>>, vector<1000x2048xf32>
    %convert_element_type3A = arith.truncf %get3A_4 : vector<1000x2048xf32> to vector<1000x2048xbf16>
    %dot_general3A = arith.constant dense<0.000000e+00> : vector<1000x2048xf32>
    %dot_general3A_5 = tpu.matmul %get3A_1, %convert_element_type3A, %dot_general3A {dimension_numbers = #tpu.dot_dimension_numbers<[1], [0], [0], [1], [0, 0, 1, 1], [], []>, transpose_lhs_hint = false} : vector<1000x1000xbf16>, vector<1000x2048xbf16>, vector<1000x2048xf32> -> vector<1000x2048xf32>
    %convert_element_type3A_6 = arith.truncf %dot_general3A_5 : vector<1000x2048xf32> to vector<1000x2048xbf16>
    %swap3A = arith.constant 0 : index
    %swap3A_7 = arith.constant 0 : index
    %swap3A_8 = vector.load %arg3[%swap3A, %swap3A_7] : memref<1000x2048xbf16, #tpu.memory_space<vmem>>, vector<1000x2048xbf16>
    tpu.vector_store %arg3[%swap3A, %swap3A_7], %convert_element_type3A_6 {strides = array<i32>} : memref<1000x2048xbf16, #tpu.memory_space<vmem>>, vector<1000x2048xbf16>,
    return
  }
  func.func @transform_0(%arg0: i32) -> (i32, i32) {
    %c0_i32 = arith.constant 0 : i32
    %c0_i32_0 = arith.constant 0 : i32
    %c0_i32_1 = arith.constant 0 : i32
    return %c0_i32, %c0_i32_0 : i32, i32
  }
  func.func @transform_1(%arg0: i32) -> (i32, i32) {
    %c0_i32 = arith.constant 0 : i32
    %c0_i32_0 = arith.constant 0 : i32
    return %c0_i32, %arg0 : i32, i32
  }
  func.func @transform_2(%arg0: i32) -> (i32, i32) {
    %c0_i32 = arith.constant 0 : i32
    %c0_i32_0 = arith.constant 0 : i32
    return %c0_i32, %arg0 : i32, i32
  }
}

module attributes {stable_mosaic.version = 14 : i64} {
  func.func @_fused_body(%arg0: i32, %arg1: memref<512x512xbf16, #tpu.memory_space<vmem>>, %arg2: memref<128x128xbf16, #tpu.memory_space<vmem>>, %arg3: memref<128x128xbf16, #tpu.memory_space<vmem>>, %arg4: memref<128x128xbf16, #tpu.memory_space<vmem>>, %arg5: memref<128x128xf32, #tpu.memory_space<vmem>>, %arg6: memref<1x128xf32, #tpu.memory_space<vmem>>, %arg7: memref<1x128xf32, #tpu.memory_space<vmem>>, %arg8: memref<8x512x64xf32, #tpu.memory_space<vmem>>, %arg9: memref<8x512x64xbf16, #tpu.memory_space<vmem>>, %arg10: memref<8x512x64xf32, #tpu.memory_space<vmem>>) attributes {dimension_semantics = [#tpu.dimension_semantics<arbitrary>], iteration_bounds = array<i64: 125>, scalar_prefetch = 0 : i64, scratch_operands = 0 : i64, tpu.core_type = #tpu.core_type<tc>, window_params = [{pipeline_mode = #tpu.pipeline_mode<synchronous>, transform_indices = @transform_0, window_bounds = array<i64: 512, 512>}, {pipeline_mode = #tpu.pipeline_mode<synchronous>, transform_indices = @transform_1, window_bounds = array<i64: 128, 128>}, {pipeline_mode = #tpu.pipeline_mode<synchronous>, transform_indices = @transform_2, window_bounds = array<i64: 128, 128>}, {pipeline_mode = #tpu.pipeline_mode<synchronous>, transform_indices = @transform_3, window_bounds = array<i64: 128, 128>}, {pipeline_mode = #tpu.pipeline_mode<synchronous>, transform_indices = @transform_4, window_bounds = array<i64: 128, 128>}, {pipeline_mode = #tpu.pipeline_mode<synchronous>, transform_indices = @transform_5, window_bounds = array<i64: 1, 128>}, {pipeline_mode = #tpu.pipeline_mode<synchronous>, transform_indices = @transform_6, window_bounds = array<i64: 1, 128>}, {transform_indices = @transform_7, window_bounds = array<i64: 8, 512, 64>}, {transform_indices = @transform_8, window_bounds = array<i64: 8, 512, 64>}, {transform_indices = @transform_9, window_bounds = array<i64: 8, 512, 64>}]} {
    %get3A = arith.constant 0 : index
    %get3A_0 = arith.constant 0 : index
    %get3A_1 = vector.load %arg1[%get3A, %get3A_0] : memref<512x512xbf16, #tpu.memory_space<vmem>>, vector<512x512xbf16>
    %get3A_2 = arith.constant 0 : index
    %get3A_3 = arith.constant 0 : index
    %get3A_4 = vector.load %arg5[%get3A_2, %get3A_3] : memref<128x128xf32, #tpu.memory_space<vmem>>, vector<128x128xf32>
    %get3A_5 = arith.constant 0 : index
    %get3A_6 = arith.constant 0 : index
    %get3A_7 = vector.load %arg6[%get3A_5, %get3A_6] : memref<1x128xf32, #tpu.memory_space<vmem>>, vector<1x128xf32>
    %get3A_8 = arith.constant 0 : index
    %get3A_9 = arith.constant 0 : index
    %get3A_10 = vector.load %arg7[%get3A_8, %get3A_9] : memref<1x128xf32, #tpu.memory_space<vmem>>, vector<1x128xf32>
    %get3A_11 = arith.constant 0 : index
    %get3A_12 = arith.constant 0 : index
    %get3A_13 = arith.constant 0 : index
    %get3A_14 = vector.load %arg8[%get3A_11, %get3A_12, %get3A_13] : memref<8x512x64xf32, #tpu.memory_space<vmem>>, vector<1x512x64xf32>
    %get3A_15 = vector.shape_cast %get3A_14 : vector<1x512x64xf32> to vector<512x64xf32>
    %get3A_16 = arith.constant 1 : index
    %get3A_17 = arith.constant 0 : index
    %get3A_18 = arith.constant 0 : index
    %get3A_19 = vector.load %arg8[%get3A_16, %get3A_17, %get3A_18] : memref<8x512x64xf32, #tpu.memory_space<vmem>>, vector<1x512x64xf32>
    %get3A_20 = vector.shape_cast %get3A_19 : vector<1x512x64xf32> to vector<512x64xf32>
    %concatenate3A = tpu.concatenate %get3A_15, %get3A_20 in 1 : vector<512x64xf32>, vector<512x64xf32> -> vector<512x128xf32>
    %get3A_21 = arith.constant 2 : index
    %get3A_22 = arith.constant 0 : index
    %get3A_23 = arith.constant 0 : index
    %get3A_24 = vector.load %arg8[%get3A_21, %get3A_22, %get3A_23] : memref<8x512x64xf32, #tpu.memory_space<vmem>>, vector<1x512x64xf32>
    %get3A_25 = vector.shape_cast %get3A_24 : vector<1x512x64xf32> to vector<512x64xf32>
    %get3A_26 = arith.constant 3 : index
    %get3A_27 = arith.constant 0 : index
    %get3A_28 = arith.constant 0 : index
    %get3A_29 = vector.load %arg8[%get3A_26, %get3A_27, %get3A_28] : memref<8x512x64xf32, #tpu.memory_space<vmem>>, vector<1x512x64xf32>
    %get3A_30 = vector.shape_cast %get3A_29 : vector<1x512x64xf32> to vector<512x64xf32>
    %concatenate3A_31 = tpu.concatenate %get3A_25, %get3A_30 in 1 : vector<512x64xf32>, vector<512x64xf32> -> vector<512x128xf32>
    %get3A_32 = arith.constant 4 : index
    %get3A_33 = arith.constant 0 : index
    %get3A_34 = arith.constant 0 : index
    %get3A_35 = vector.load %arg8[%get3A_32, %get3A_33, %get3A_34] : memref<8x512x64xf32, #tpu.memory_space<vmem>>, vector<1x512x64xf32>
    %get3A_36 = vector.shape_cast %get3A_35 : vector<1x512x64xf32> to vector<512x64xf32>
    %get3A_37 = arith.constant 5 : index
    %get3A_38 = arith.constant 0 : index
    %get3A_39 = arith.constant 0 : index
    %get3A_40 = vector.load %arg8[%get3A_37, %get3A_38, %get3A_39] : memref<8x512x64xf32, #tpu.memory_space<vmem>>, vector<1x512x64xf32>
    %get3A_41 = vector.shape_cast %get3A_40 : vector<1x512x64xf32> to vector<512x64xf32>
    %concatenate3A_42 = tpu.concatenate %get3A_36, %get3A_41 in 1 : vector<512x64xf32>, vector<512x64xf32> -> vector<512x128xf32>
    %get3A_43 = arith.constant 6 : index
    %get3A_44 = arith.constant 0 : index
    %get3A_45 = arith.constant 0 : index
    %get3A_46 = vector.load %arg8[%get3A_43, %get3A_44, %get3A_45] : memref<8x512x64xf32, #tpu.memory_space<vmem>>, vector<1x512x64xf32>
    %get3A_47 = vector.shape_cast %get3A_46 : vector<1x512x64xf32> to vector<512x64xf32>
    %get3A_48 = arith.constant 7 : index
    %get3A_49 = arith.constant 0 : index
    %get3A_50 = arith.constant 0 : index
    %get3A_51 = vector.load %arg8[%get3A_48, %get3A_49, %get3A_50] : memref<8x512x64xf32, #tpu.memory_space<vmem>>, vector<1x512x64xf32>
    %get3A_52 = vector.shape_cast %get3A_51 : vector<1x512x64xf32> to vector<512x64xf32>
    %concatenate3A_53 = tpu.concatenate %get3A_47, %get3A_52 in 1 : vector<512x64xf32>, vector<512x64xf32> -> vector<512x128xf32>
    %concatenate3A_54 = tpu.concatenate %concatenate3A, %concatenate3A_31, %concatenate3A_42, %concatenate3A_53 in 0 : vector<512x128xf32>, vector<512x128xf32>, vector<512x128xf32>, vector<512x128xf32> -> vector<2048x128xf32>
    %convert_element_type3A = arith.truncf %concatenate3A_54 : vector<2048x128xf32> to vector<2048x128xbf16>
    %get3A_55 = arith.constant 0 : index
    %get3A_56 = arith.constant 0 : index
    %get3A_57 = arith.constant 0 : index
    %get3A_58 = vector.load %arg9[%get3A_55, %get3A_56, %get3A_57] : memref<8x512x64xbf16, #tpu.memory_space<vmem>>, vector<1x512x64xbf16>
    %get3A_59 = vector.shape_cast %get3A_58 : vector<1x512x64xbf16> to vector<512x64xbf16>
    %get3A_60 = arith.constant 1 : index
    %get3A_61 = arith.constant 0 : index
    %get3A_62 = arith.constant 0 : index
    %get3A_63 = vector.load %arg9[%get3A_60, %get3A_61, %get3A_62] : memref<8x512x64xbf16, #tpu.memory_space<vmem>>, vector<1x512x64xbf16>
    %get3A_64 = vector.shape_cast %get3A_63 : vector<1x512x64xbf16> to vector<512x64xbf16>
    %concatenate3A_65 = tpu.concatenate %get3A_59, %get3A_64 in 1 : vector<512x64xbf16>, vector<512x64xbf16> -> vector<512x128xbf16>
    %get3A_66 = arith.constant 2 : index
    %get3A_67 = arith.constant 0 : index
    %get3A_68 = arith.constant 0 : index
    %get3A_69 = vector.load %arg9[%get3A_66, %get3A_67, %get3A_68] : memref<8x512x64xbf16, #tpu.memory_space<vmem>>, vector<1x512x64xbf16>
    %get3A_70 = vector.shape_cast %get3A_69 : vector<1x512x64xbf16> to vector<512x64xbf16>
    %get3A_71 = arith.constant 3 : index
    %get3A_72 = arith.constant 0 : index
    %get3A_73 = arith.constant 0 : index
    %get3A_74 = vector.load %arg9[%get3A_71, %get3A_72, %get3A_73] : memref<8x512x64xbf16, #tpu.memory_space<vmem>>, vector<1x512x64xbf16>
    %get3A_75 = vector.shape_cast %get3A_74 : vector<1x512x64xbf16> to vector<512x64xbf16>
    %concatenate3A_76 = tpu.concatenate %get3A_70, %get3A_75 in 1 : vector<512x64xbf16>, vector<512x64xbf16> -> vector<512x128xbf16>
    %get3A_77 = arith.constant 4 : index
    %get3A_78 = arith.constant 0 : index
    %get3A_79 = arith.constant 0 : index
    %get3A_80 = vector.load %arg9[%get3A_77, %get3A_78, %get3A_79] : memref<8x512x64xbf16, #tpu.memory_space<vmem>>, vector<1x512x64xbf16>
    %get3A_81 = vector.shape_cast %get3A_80 : vector<1x512x64xbf16> to vector<512x64xbf16>
    %get3A_82 = arith.constant 5 : index
    %get3A_83 = arith.constant 0 : index
    %get3A_84 = arith.constant 0 : index
    %get3A_85 = vector.load %arg9[%get3A_82, %get3A_83, %get3A_84] : memref<8x512x64xbf16, #tpu.memory_space<vmem>>, vector<1x512x64xbf16>
    %get3A_86 = vector.shape_cast %get3A_85 : vector<1x512x64xbf16> to vector<512x64xbf16>
    %concatenate3A_87 = tpu.concatenate %get3A_81, %get3A_86 in 1 : vector<512x64xbf16>, vector<512x64xbf16> -> vector<512x128xbf16>
    %get3A_88 = arith.constant 6 : index
    %get3A_89 = arith.constant 0 : index
    %get3A_90 = arith.constant 0 : index
    %get3A_91 = vector.load %arg9[%get3A_88, %get3A_89, %get3A_90] : memref<8x512x64xbf16, #tpu.memory_space<vmem>>, vector<1x512x64xbf16>
    %get3A_92 = vector.shape_cast %get3A_91 : vector<1x512x64xbf16> to vector<512x64xbf16>
    %get3A_93 = arith.constant 7 : index
    %get3A_94 = arith.constant 0 : index
    %get3A_95 = arith.constant 0 : index
    %get3A_96 = vector.load %arg9[%get3A_93, %get3A_94, %get3A_95] : memref<8x512x64xbf16, #tpu.memory_space<vmem>>, vector<1x512x64xbf16>
    %get3A_97 = vector.shape_cast %get3A_96 : vector<1x512x64xbf16> to vector<512x64xbf16>
    %concatenate3A_98 = tpu.concatenate %get3A_92, %get3A_97 in 1 : vector<512x64xbf16>, vector<512x64xbf16> -> vector<512x128xbf16>
    %concatenate3A_99 = tpu.concatenate %concatenate3A_65, %concatenate3A_76, %concatenate3A_87, %concatenate3A_98 in 0 : vector<512x128xbf16>, vector<512x128xbf16>, vector<512x128xbf16>, vector<512x128xbf16> -> vector<2048x128xbf16>
    %get3A_100 = arith.constant 0 : index
    %get3A_101 = arith.constant 0 : index
    %get3A_102 = vector.load %arg2[%get3A_100, %get3A_101] : memref<128x128xbf16, #tpu.memory_space<vmem>>, vector<128x128xbf16>
    %dot_general3A = arith.constant dense<0.000000e+00> : vector<2048x128xf32>
    %dot_general3A_103 = tpu.matmul %convert_element_type3A, %get3A_102, %dot_general3A {dimension_numbers = #tpu.dot_dimension_numbers<[1], [0], [0], [1], [0, 0, 1, 1], [], []>, transpose_lhs_hint = false} : vector<2048x128xbf16>, vector<128x128xbf16>, vector<2048x128xf32> -> vector<2048x128xf32>
    %get3A_104 = arith.constant 0 : index
    %get3A_105 = arith.constant 0 : index
    %get3A_106 = vector.load %arg3[%get3A_104, %get3A_105] : memref<128x128xbf16, #tpu.memory_space<vmem>>, vector<128x128xbf16>
    %dot_general3A_107 = arith.constant dense<0.000000e+00> : vector<2048x128xf32>
    %dot_general3A_108 = tpu.matmul %concatenate3A_99, %get3A_106, %dot_general3A_107 {dimension_numbers = #tpu.dot_dimension_numbers<[1], [0], [0], [1], [0, 0, 1, 1], [], []>, transpose_lhs_hint = false} : vector<2048x128xbf16>, vector<128x128xbf16>, vector<2048x128xf32> -> vector<2048x128xf32>
    %add3A = arith.addf %dot_general3A_103, %dot_general3A_108 : vector<2048x128xf32>
    %get3A_109 = arith.constant 0 : index
    %get3A_110 = arith.constant 0 : index
    %get3A_111 = vector.load %arg4[%get3A_109, %get3A_110] : memref<128x128xbf16, #tpu.memory_space<vmem>>, vector<128x128xbf16>
    %dot_general3A_112 = arith.constant dense<0.000000e+00> : vector<2048x128xf32>
    %dot_general3A_113 = tpu.matmul %convert_element_type3A, %get3A_111, %dot_general3A_112 {dimension_numbers = #tpu.dot_dimension_numbers<[1], [0], [0], [1], [0, 0, 1, 1], [], []>, transpose_lhs_hint = false} : vector<2048x128xbf16>, vector<128x128xbf16>, vector<2048x128xf32> -> vector<2048x128xf32>
    %convert_element_type3A_114 = arith.truncf %dot_general3A_113 : vector<2048x128xf32> to vector<2048x128xbf16>
    %slice3A = vector.extract_strided_slice %convert_element_type3A_114 {offsets = [0, 0], sizes = [512, 128], strides = [1, 1]} : vector<2048x128xbf16> to vector<512x128xbf16>
    %dot_general3A_115 = arith.constant dense<0.000000e+00> : vector<512x128xf32>
    %dot_general3A_116 = tpu.matmul %get3A_1, %slice3A, %dot_general3A_115 {dimension_numbers = #tpu.dot_dimension_numbers<[1], [0], [0], [1], [0, 0, 1, 1], [], []>, transpose_lhs_hint = false} : vector<512x512xbf16>, vector<512x128xbf16>, vector<512x128xf32> -> vector<512x128xf32>
    %slice3A_117 = vector.extract_strided_slice %convert_element_type3A_114 {offsets = [512, 0], sizes = [512, 128], strides = [1, 1]} : vector<2048x128xbf16> to vector<512x128xbf16>
    %dot_general3A_118 = arith.constant dense<0.000000e+00> : vector<512x128xf32>
    %dot_general3A_119 = tpu.matmul %get3A_1, %slice3A_117, %dot_general3A_118 {dimension_numbers = #tpu.dot_dimension_numbers<[1], [0], [0], [1], [0, 0, 1, 1], [], []>, transpose_lhs_hint = false} : vector<512x512xbf16>, vector<512x128xbf16>, vector<512x128xf32> -> vector<512x128xf32>
    %slice3A_120 = vector.extract_strided_slice %convert_element_type3A_114 {offsets = [1024, 0], sizes = [512, 128], strides = [1, 1]} : vector<2048x128xbf16> to vector<512x128xbf16>
    %dot_general3A_121 = arith.constant dense<0.000000e+00> : vector<512x128xf32>
    %dot_general3A_122 = tpu.matmul %get3A_1, %slice3A_120, %dot_general3A_121 {dimension_numbers = #tpu.dot_dimension_numbers<[1], [0], [0], [1], [0, 0, 1, 1], [], []>, transpose_lhs_hint = false} : vector<512x512xbf16>, vector<512x128xbf16>, vector<512x128xf32> -> vector<512x128xf32>
    %slice3A_123 = vector.extract_strided_slice %convert_element_type3A_114 {offsets = [1536, 0], sizes = [512, 128], strides = [1, 1]} : vector<2048x128xbf16> to vector<512x128xbf16>
    %dot_general3A_124 = arith.constant dense<0.000000e+00> : vector<512x128xf32>
    %dot_general3A_125 = tpu.matmul %get3A_1, %slice3A_123, %dot_general3A_124 {dimension_numbers = #tpu.dot_dimension_numbers<[1], [0], [0], [1], [0, 0, 1, 1], [], []>, transpose_lhs_hint = false} : vector<512x512xbf16>, vector<512x128xbf16>, vector<512x128xf32> -> vector<512x128xf32>
    %concatenate3A_126 = tpu.concatenate %dot_general3A_116, %dot_general3A_119, %dot_general3A_122, %dot_general3A_125 in 0 : vector<512x128xf32>, vector<512x128xf32>, vector<512x128xf32>, vector<512x128xf32> -> vector<2048x128xf32>
    %add3A_127 = arith.addf %add3A, %concatenate3A_126 : vector<2048x128xf32>
    %max3A = arith.constant 0.000000e+00 : f32
    %max3A_128 = vector.broadcast %max3A : f32 to vector<2048x128xf32>
    %max3A_129 = arith.maximumf %add3A_127, %max3A_128 : vector<2048x128xf32>
    %add3A_130 = arith.addf %concatenate3A_54, %max3A_129 : vector<2048x128xf32>
    %dot_general3A_131 = arith.constant dense<0.000000e+00> : vector<2048x128xf32>
    %dot_general3A_132 = tpu.matmul %add3A_130, %get3A_4, %dot_general3A_131 {dimension_numbers = #tpu.dot_dimension_numbers<[1], [0], [0], [1], [0, 0, 1, 1], [], []>, transpose_lhs_hint = false} : vector<2048x128xf32>, vector<128x128xf32>, vector<2048x128xf32> -> vector<2048x128xf32>
    %mul3A = arith.mulf %add3A_130, %add3A_130 : vector<2048x128xf32>
    %dot_general3A_133 = arith.constant dense<0.000000e+00> : vector<2048x128xf32>
    %dot_general3A_134 = tpu.matmul %mul3A, %get3A_4, %dot_general3A_133 {dimension_numbers = #tpu.dot_dimension_numbers<[1], [0], [0], [1], [0, 0, 1, 1], [], []>, transpose_lhs_hint = false} : vector<2048x128xf32>, vector<128x128xf32>, vector<2048x128xf32> -> vector<2048x128xf32>
    %mul3A_135 = arith.mulf %dot_general3A_132, %dot_general3A_132 : vector<2048x128xf32>
    %sub3A = arith.subf %dot_general3A_134, %mul3A_135 : vector<2048x128xf32>
    %sub3A_136 = arith.subf %add3A_130, %dot_general3A_132 : vector<2048x128xf32>
    %add3A_137 = arith.constant 9.99999974E-6 : f32
    %add3A_138 = vector.broadcast %add3A_137 : f32 to vector<2048x128xf32>
    %add3A_139 = arith.addf %sub3A, %add3A_138 : vector<2048x128xf32>
    %rsqrt3A = math.rsqrt %add3A_139 : vector<2048x128xf32>
    %mul3A_140 = arith.mulf %sub3A_136, %rsqrt3A : vector<2048x128xf32>
    %mul3A_141 = vector.broadcast %get3A_7 : vector<1x128xf32> to vector<2048x128xf32>
    %mul3A_142 = arith.mulf %mul3A_140, %mul3A_141 : vector<2048x128xf32>
    %add3A_143 = vector.broadcast %get3A_10 : vector<1x128xf32> to vector<2048x128xf32>
    %add3A_144 = arith.addf %mul3A_142, %add3A_143 : vector<2048x128xf32>
    %slice3A_145 = vector.extract_strided_slice %add3A_144 {offsets = [0, 0], sizes = [512, 128], strides = [1, 1]} : vector<2048x128xf32> to vector<512x128xf32>
    %slice3A_146 = vector.extract_strided_slice %slice3A_145 {offsets = [0, 0], sizes = [512, 64], strides = [1, 1]} : vector<512x128xf32> to vector<512x64xf32>
    %swap3A = arith.constant 0 : index
    %swap3A_147 = arith.constant 0 : index
    %swap3A_148 = arith.constant 0 : index
    %swap3A_149 = vector.load %arg10[%swap3A, %swap3A_147, %swap3A_148] : memref<8x512x64xf32, #tpu.memory_space<vmem>>, vector<1x512x64xf32>
    %swap3A_150 = vector.shape_cast %swap3A_149 : vector<1x512x64xf32> to vector<512x64xf32>
    %swap3A_151 = vector.shape_cast %slice3A_146 : vector<512x64xf32> to vector<1x512x64xf32>
    tpu.vector_store %arg10[%swap3A, %swap3A_147, %swap3A_148], %swap3A_151 {strides = array<i32>} : memref<8x512x64xf32, #tpu.memory_space<vmem>>, vector<1x512x64xf32>,
    %slice3A_152 = vector.extract_strided_slice %slice3A_145 {offsets = [0, 64], sizes = [512, 64], strides = [1, 1]} : vector<512x128xf32> to vector<512x64xf32>
    %swap3A_153 = arith.constant 1 : index
    %swap3A_154 = arith.constant 0 : index
    %swap3A_155 = arith.constant 0 : index
    %swap3A_156 = vector.load %arg10[%swap3A_153, %swap3A_154, %swap3A_155] : memref<8x512x64xf32, #tpu.memory_space<vmem>>, vector<1x512x64xf32>
    %swap3A_157 = vector.shape_cast %swap3A_156 : vector<1x512x64xf32> to vector<512x64xf32>
    %swap3A_158 = vector.shape_cast %slice3A_152 : vector<512x64xf32> to vector<1x512x64xf32>
    tpu.vector_store %arg10[%swap3A_153, %swap3A_154, %swap3A_155], %swap3A_158 {strides = array<i32>} : memref<8x512x64xf32, #tpu.memory_space<vmem>>, vector<1x512x64xf32>,
    %slice3A_159 = vector.extract_strided_slice %add3A_144 {offsets = [512, 0], sizes = [512, 128], strides = [1, 1]} : vector<2048x128xf32> to vector<512x128xf32>
    %slice3A_160 = vector.extract_strided_slice %slice3A_159 {offsets = [0, 0], sizes = [512, 64], strides = [1, 1]} : vector<512x128xf32> to vector<512x64xf32>
    %swap3A_161 = arith.constant 2 : index
    %swap3A_162 = arith.constant 0 : index
    %swap3A_163 = arith.constant 0 : index
    %swap3A_164 = vector.load %arg10[%swap3A_161, %swap3A_162, %swap3A_163] : memref<8x512x64xf32, #tpu.memory_space<vmem>>, vector<1x512x64xf32>
    %swap3A_165 = vector.shape_cast %swap3A_164 : vector<1x512x64xf32> to vector<512x64xf32>
    %swap3A_166 = vector.shape_cast %slice3A_160 : vector<512x64xf32> to vector<1x512x64xf32>
    tpu.vector_store %arg10[%swap3A_161, %swap3A_162, %swap3A_163], %swap3A_166 {strides = array<i32>} : memref<8x512x64xf32, #tpu.memory_space<vmem>>, vector<1x512x64xf32>,
    %slice3A_167 = vector.extract_strided_slice %slice3A_159 {offsets = [0, 64], sizes = [512, 64], strides = [1, 1]} : vector<512x128xf32> to vector<512x64xf32>
    %swap3A_168 = arith.constant 3 : index
    %swap3A_169 = arith.constant 0 : index
    %swap3A_170 = arith.constant 0 : index
    %swap3A_171 = vector.load %arg10[%swap3A_168, %swap3A_169, %swap3A_170] : memref<8x512x64xf32, #tpu.memory_space<vmem>>, vector<1x512x64xf32>
    %swap3A_172 = vector.shape_cast %swap3A_171 : vector<1x512x64xf32> to vector<512x64xf32>
    %swap3A_173 = vector.shape_cast %slice3A_167 : vector<512x64xf32> to vector<1x512x64xf32>
    tpu.vector_store %arg10[%swap3A_168, %swap3A_169, %swap3A_170], %swap3A_173 {strides = array<i32>} : memref<8x512x64xf32, #tpu.memory_space<vmem>>, vector<1x512x64xf32>,
    %slice3A_174 = vector.extract_strided_slice %add3A_144 {offsets = [1024, 0], sizes = [512, 128], strides = [1, 1]} : vector<2048x128xf32> to vector<512x128xf32>
    %slice3A_175 = vector.extract_strided_slice %slice3A_174 {offsets = [0, 0], sizes = [512, 64], strides = [1, 1]} : vector<512x128xf32> to vector<512x64xf32>
    %swap3A_176 = arith.constant 4 : index
    %swap3A_177 = arith.constant 0 : index
    %swap3A_178 = arith.constant 0 : index
    %swap3A_179 = vector.load %arg10[%swap3A_176, %swap3A_177, %swap3A_178] : memref<8x512x64xf32, #tpu.memory_space<vmem>>, vector<1x512x64xf32>
    %swap3A_180 = vector.shape_cast %swap3A_179 : vector<1x512x64xf32> to vector<512x64xf32>
    %swap3A_181 = vector.shape_cast %slice3A_175 : vector<512x64xf32> to vector<1x512x64xf32>
    tpu.vector_store %arg10[%swap3A_176, %swap3A_177, %swap3A_178], %swap3A_181 {strides = array<i32>} : memref<8x512x64xf32, #tpu.memory_space<vmem>>, vector<1x512x64xf32>,
    %slice3A_182 = vector.extract_strided_slice %slice3A_174 {offsets = [0, 64], sizes = [512, 64], strides = [1, 1]} : vector<512x128xf32> to vector<512x64xf32>
    %swap3A_183 = arith.constant 5 : index
    %swap3A_184 = arith.constant 0 : index
    %swap3A_185 = arith.constant 0 : index
    %swap3A_186 = vector.load %arg10[%swap3A_183, %swap3A_184, %swap3A_185] : memref<8x512x64xf32, #tpu.memory_space<vmem>>, vector<1x512x64xf32>
    %swap3A_187 = vector.shape_cast %swap3A_186 : vector<1x512x64xf32> to vector<512x64xf32>
    %swap3A_188 = vector.shape_cast %slice3A_182 : vector<512x64xf32> to vector<1x512x64xf32>
    tpu.vector_store %arg10[%swap3A_183, %swap3A_184, %swap3A_185], %swap3A_188 {strides = array<i32>} : memref<8x512x64xf32, #tpu.memory_space<vmem>>, vector<1x512x64xf32>,
    %slice3A_189 = vector.extract_strided_slice %add3A_144 {offsets = [1536, 0], sizes = [512, 128], strides = [1, 1]} : vector<2048x128xf32> to vector<512x128xf32>
    %slice3A_190 = vector.extract_strided_slice %slice3A_189 {offsets = [0, 0], sizes = [512, 64], strides = [1, 1]} : vector<512x128xf32> to vector<512x64xf32>
    %swap3A_191 = arith.constant 6 : index
    %swap3A_192 = arith.constant 0 : index
    %swap3A_193 = arith.constant 0 : index
    %swap3A_194 = vector.load %arg10[%swap3A_191, %swap3A_192, %swap3A_193] : memref<8x512x64xf32, #tpu.memory_space<vmem>>, vector<1x512x64xf32>
    %swap3A_195 = vector.shape_cast %swap3A_194 : vector<1x512x64xf32> to vector<512x64xf32>
    %swap3A_196 = vector.shape_cast %slice3A_190 : vector<512x64xf32> to vector<1x512x64xf32>
    tpu.vector_store %arg10[%swap3A_191, %swap3A_192, %swap3A_193], %swap3A_196 {strides = array<i32>} : memref<8x512x64xf32, #tpu.memory_space<vmem>>, vector<1x512x64xf32>,
    %slice3A_197 = vector.extract_strided_slice %slice3A_189 {offsets = [0, 64], sizes = [512, 64], strides = [1, 1]} : vector<512x128xf32> to vector<512x64xf32>
    %swap3A_198 = arith.constant 7 : index
    %swap3A_199 = arith.constant 0 : index
    %swap3A_200 = arith.constant 0 : index
    %swap3A_201 = vector.load %arg10[%swap3A_198, %swap3A_199, %swap3A_200] : memref<8x512x64xf32, #tpu.memory_space<vmem>>, vector<1x512x64xf32>
    %swap3A_202 = vector.shape_cast %swap3A_201 : vector<1x512x64xf32> to vector<512x64xf32>
    %swap3A_203 = vector.shape_cast %slice3A_197 : vector<512x64xf32> to vector<1x512x64xf32>
    tpu.vector_store %arg10[%swap3A_198, %swap3A_199, %swap3A_200], %swap3A_203 {strides = array<i32>} : memref<8x512x64xf32, #tpu.memory_space<vmem>>, vector<1x512x64xf32>,
    return
  }
  func.func @transform_0(%arg0: i32) -> (i32, i32) {
    %c0_i32 = arith.constant 0 : i32
    %c0_i32_0 = arith.constant 0 : i32
    %c0_i32_1 = arith.constant 0 : i32
    return %c0_i32, %c0_i32_0 : i32, i32
  }
  func.func @transform_1(%arg0: i32) -> (i32, i32) {
    %c0_i32 = arith.constant 0 : i32
    %c0_i32_0 = arith.constant 0 : i32
    %c0_i32_1 = arith.constant 0 : i32
    return %c0_i32, %c0_i32_0 : i32, i32
  }
  func.func @transform_2(%arg0: i32) -> (i32, i32) {
    %c0_i32 = arith.constant 0 : i32
    %c0_i32_0 = arith.constant 0 : i32
    %c0_i32_1 = arith.constant 0 : i32
    return %c0_i32, %c0_i32_0 : i32, i32
  }
  func.func @transform_3(%arg0: i32) -> (i32, i32) {
    %c0_i32 = arith.constant 0 : i32
    %c0_i32_0 = arith.constant 0 : i32
    %c0_i32_1 = arith.constant 0 : i32
    return %c0_i32, %c0_i32_0 : i32, i32
  }
  func.func @transform_4(%arg0: i32) -> (i32, i32) {
    %c0_i32 = arith.constant 0 : i32
    %c0_i32_0 = arith.constant 0 : i32
    %c0_i32_1 = arith.constant 0 : i32
    return %c0_i32, %c0_i32_0 : i32, i32
  }
  func.func @transform_5(%arg0: i32) -> (i32, i32) {
    %c0_i32 = arith.constant 0 : i32
    %c0_i32_0 = arith.constant 0 : i32
    %c0_i32_1 = arith.constant 0 : i32
    return %c0_i32, %c0_i32_0 : i32, i32
  }
  func.func @transform_6(%arg0: i32) -> (i32, i32) {
    %c0_i32 = arith.constant 0 : i32
    %c0_i32_0 = arith.constant 0 : i32
    %c0_i32_1 = arith.constant 0 : i32
    return %c0_i32, %c0_i32_0 : i32, i32
  }
  func.func @transform_7(%arg0: i32) -> (i32, i32, i32) {
    %c0_i32 = arith.constant 0 : i32
    %c0_i32_0 = arith.constant 0 : i32
    %c0_i32_1 = arith.constant 0 : i32
    return %arg0, %c0_i32, %c0_i32_0 : i32, i32, i32
  }
  func.func @transform_8(%arg0: i32) -> (i32, i32, i32) {
    %c0_i32 = arith.constant 0 : i32
    %c0_i32_0 = arith.constant 0 : i32
    %c0_i32_1 = arith.constant 0 : i32
    return %arg0, %c0_i32, %c0_i32_0 : i32, i32, i32
  }
  func.func @transform_9(%arg0: i32) -> (i32, i32, i32) {
    %c0_i32 = arith.constant 0 : i32
    %c0_i32_0 = arith.constant 0 : i32
    %c0_i32_1 = arith.constant 0 : i32
    return %arg0, %c0_i32, %c0_i32_0 : i32, i32, i32
  }
}

</mosaic_0001>

<sc_bundles>
// kernel: sparse-core-data-format-call.cloned.1.call-start
scs
called_computation_lowered:
.L_overlay_start_0:
0x0: {  	s2 =	sld [smem:$0x3FD9]  }
0x1: {  	s3 =	sld [smem:$0x3FFE];
	_ =	sdelay $0x1  }
0x2: {  	s1 =	srdreg.scid  }
0x3: {  	s0 =	sand.u32 $0x1, s1  }
0x4: {  	s18 =	sshll.u32 s0, $0xA;
	s2 =	sadd.s32 s3, s2  }
0x5: {  	s2 =	sadd.s32 s2, s18  }
0x6: {  	[smem:$0x3FC2] =	sst s2  }
0x7: {  	_ = 	snop  }
0x8: {  	s2 =	sld [smem:$0x3FD0];
	(tm) =	ssettm $0x1  }
0x9: {  	s19 =	sld [smem:$0x3FFB];
	_ =	sdelay $0x3  }
0xa: {  	_ =	strace s19  }
0xb: {  	s3 =	sld [smem:$0x3FFC];
	_ =	sdelay $0x3  }
0xc: {  	_ =	strace s3  }
0xd: {  	s3 =	sld [smem:$0x3FFD];
	_ =	sdelay $0x3  }
0xe: {  	_ =	strace s3  }
0xf: {  	_ =	strace $0x8FFFFFFF  }
0x10: {  	s20 =	sld [smem:$0x3FDB];
	_ =	sdelay $0x1  }
0x11: {  	s4 =	simm.s32 $_scs_section_size  }
0x12: {  	s5 =	simm.s32 $_size__tile_overlayer_lowered;
	s6 =	simm.s32 $_tile_overlayer_lowered  }
0x13: {  	s23 =	simm.s32 $0x1BFF;
	s22 =	sshll.u32 s6, $0x1;
	s3 =	sadd.s32 s4, s20  }
0x14: {  	s7 =	simm.s32 $0x0;
	s21 =	sshll.u32 s5, $0x1;
	s5 =	sadd.s32 s22, s3  }
0x15: {  	[timem:s7], [sflag:s23] =	dma.local [hbm:s5], s21  }
0x16: {  	_ =	swait.ge [sflag:s23], s21  }
0x17: {  	s4 =	ssub.s32 $0x0, s21;
	[sflag:s23] =	ssyncset.done $0x0  }
0x18: {  	[sflag:s23] =	ssyncadd.s32 s4;
	_ =	sdelay $0x1  }
0x19: {  	s24 =	simm.s32 $0x1B8B  }
0x1a: {  	_ =	swait.ge [sflag:s24], $0x1  }
0x1b: {  	[sflag:s24] =	ssyncset.done $0x0  }
0x1c: {  	s26 =	simm.s32 $0x1B8E;
	s25 =	sld [smem:$0x3FFE];
	[sflag:s24] =	ssyncadd.s32 $0xFFFFFFFF  }
0x1d: {  	s27 =	simm.s32 $execute0_lowered;
	[smem:$0x3FD2] =	sst s26  }
0x1e: {  	s5 =	sshll.u32 s27, $0x1;
	_ =	strace $0x80000046;
	[dreg:$0x1] =	wrdreg $0xFFFFFFFF  }
0x1f: {  	s28 =	simm.s32 $_size_execute0_lowered;
	s3 =	sadd.s32 s3, s5;
	[dreg:$0x0] =	wrdreg $0x0  }
0x20: {  	s5 =	sshll.u32 s28, $0x1;
	[dreg:$0x2] =	wrdreg s3  }
0x21: {  	[dreg:$0x3] =	wrdreg s5  }
0x22: {  	[dreg:$0x4] =	wrdreg $0xC0  }
0x23: {  	_ =	task [dreg:s7], $0x5FFFF  }
0x24: {  	[dreg:$0x1] =	wrdreg $0xFFFFFFFF  }
0x25: {  	[dreg:$0x0] =	wrdreg $0x60  }
0x26: {  	[dreg:$0x2] =	wrdreg s25  }
0x27: {  	[dreg:$0x3] =	wrdreg s2  }
0x28: {  	[dreg:$0x4] =	wrdreg $0x9  }
0x29: {  	_ =	task.clear_ibuf [dreg:s7], $0x5FFFF;
	_ =	strace $0x90000046  }
0x2a: {  	s29 =	simm.s32 $0x9;
	_ =	strace $0x80000048  }
0x2b: {  	_ =	swait.ge [sflag:s29], $0x1  }
0x2c: {  	[sflag:s29] =	ssyncadd.s32 $0xFFFFFFFF  }
0x2d: {  	_ =	strace $0x90000048  }
0x2e: {  	_ =	sfence  }
0x2f: {  	s30 =	sld [smem:$0x0];
	_ =	sdelay $0x2  }
0x30: {  	s31 =	sshll.u32 s1, $0xD;
	s1 =	sshrl.u32 s1, $0x2  }
0x31: {  	s3 =	sand.u32 $0x4000, s31;
	s1 =	sadd.s32 s1, s30  }
0x32: {  	s0 =	sor.u32 s3, s0;
	s1 =	sshll.u32 s1, $0x11  }
0x33: {  	s0 =	sor.u32 s1, s0  }
0x34: {  	s0 =	sadd.s32 $0x8F2B, s0  }
0x35: {  	[sflag:s0] =	ssyncadd.remote.s32 $0x1  }
0x36: {  	_ =	sfence.sel $0xFFFF  }
0x37: {  	[dreg:$0x0] =	wrdreg $0xFFFFFFFF;
	(pc) =	sbr.abs _section_cstart, $3  }
0x38: {  	[dreg:$0x1] =	wrdreg $0xFFFFFFFF  }
0x39: {  	_ =	task.clear_ibuf [dreg:s7], $0x2FFFF;
	_ =	strace $0x9FFFFFFF  }
0x3a: {  	(tm) =	ssettm $0x7FFFFFFF  }
0x3b: {  	_ =	shalt  }
tec
execute0_lowered:
.L_overlay_start_1:
0x0: {  	(tag) =	ssettag $0x1  }
0x1: {  	s0 =	srdreg.scid;
	s5 =	rddreg [dreg:$0x0]  }
0x2: {  	s3 =	rddreg [dreg:$0x1];
	s1 =	sshll.u32 s0, $0x4  }
0x3: {  	s7 =	simm.s32 $0x1;
	s0 =	stileid.u32;
	s1 =	sand.u32 $0x10, s1  }
0x4: {  	s8 =	simm.s32 $0x2;
	s15 =	simm.s32 $0x0;
	s1 =	sor.u32 s0, s1  }
0x5: {  	s14 =	simm.s32 $0x0;
	s9 =	simm.s32 $0x0;
	s2 =	sshll.u32 s1, $0x7  }
0x6: {  	s10 =	simm.s32 $0x0;
	s11 =	simm.s32 $0x0;
	s6 =	ssub.s32 $0x8000, s2  }
0x7: {  	s13 =	simm.s32 $0x0;
	s5 =	sadd.s32 $0x1A00, s5;
	s4 =	sand.u32 $0xF80, s6  }
.Ltmp0:
0x8: {  	s1 =	rddreg [dreg:$0x2];
	p0 =	sne.s32 s4, $0x0;
	(pc) =	sbr.rel .LBB1_1-.Ltmp0, $4  }
0x9: {  	_ =	strace $0x80000047;
	s6 =	sshrl.u32 s6, $0xC;
	s7 =	simm.s32 @!p0 $0x0  }
0xa: {  	s12 =	smov.u32 s2;
	s4 =	simm.s32 $0x1;
	s6 =	sadd.s32 s7, s6  }
0xb: {  	[sflag:s4] =	ssyncpa.u1 $0x0;
	p0 =	por $0x0, $0x0;
	s6 =	sshll.u32 s6, $0x3  }
0xc: {  	[sflag:s8] =	ssyncpa.u1 $0x0;
	s8 =	simm.s32 $0x40000;
	s7 =	sor.u32 $0x1, s6  }
.LBB1_4:
0xd: {  	s20 =	sshra.s32 s20, $0x2  }
0xe: {  	s28 =	sand.u32 $0x78, s10;
	s21 =	sshll.u32 s9, $0xF;
	s22 =	sshll.u32 s10, $0x3  }
0xf: {  	s24 =	sshll.u32 s9, $0x7;
	p1 =	sgt.s32 s9, $0x368;
	s30 =	sshra.s32 s9, $0x1F  }
0x10: {  	s26 =	sshra.s32 s10, $0x1F;
	s19 =	sadd.s32 s20, s19;
	s21 =	sand.u32 $0xFFFC0000, s21  }
0x11: {  	v5 =	vld [tilespmem:s17+$0xFFFFFFD0];
	[tilespmem:s18+$0x2040 ss:$0x81] =	vst.msk $0xffff, v4;
	s23 =	sand.u32 $0xFFFFFC00, s22;
	s29 =	sand.u32 $0x380, s24;
	s22 =	sand.u32 $0x7C00, s22  }
0x12: {  	v58 =	vld [tilespmem:s17+$0xFFFFFFE0];
	[tilespmem:s18+$0x2850 ss:$0x81] =	vst.msk $0xffff, v3;
	s21 =	sadd.s32 s23, s21;
	s20 =	sor.u32 s28, s22;
	s22 =	smov.u32 s9  }
0x13: {  	v59 =	vld [tilespmem:s17+$0xFFFFFFF0];
	[tilespmem:s18+$0x3060 ss:$0x81] =	vst.msk $0xffff, v2;
	s24 =	sand.u32 s30, s9;
	s21 =	sshrl.u32 s21, $0xF;
	s22 =	simm.s32 @!p1 $0x368  }
0x14: {  	v60 =	vld [tilespmem:s17+$0x0];
	[tilespmem:s18+$0x0 ss:$0x81] =	vst.msk $0xffff, v1;
	p1 =	sgt.s32 s10, $0x7F80;
	s31 =	ssub.s32 s22, s24;
	s22 =	smov.u32 s10  }
0x15: {  	v61 =	vld [tilespmem:s17+$0x10];
	[tilespmem:s19+$0x3870 ss:$0x81] =	vst.msk $0xffff, v0;
	s25 =	smulhi.u32 $0x418938, s21;
	s24 =	sand.u32 s26, s10;
	s22 =	simm.s32 @!p1 $0x7F80  }
0x16: {  	v62 =	vld [tilespmem:s17+$0x20];
	s20 =	sor.u32 s29, s20;
	[tilespmem:s19+$0x810 ss:$0x81] =	vst.msk $0xffff, v5;
	s27 =	sadd.s32 $0xFFFFFC98, s31;
	s22 =	ssub.s32 s22, s24  }
0x17: {  	v63 =	vld [tilespmem:s17+$0xFFFFFFC0];
	[tilespmem:s19+$0x1020 ss:$0x81] =	vst.msk $0xffff, v58;
	s18 =	ssub.s32 $0x3E8, s31;
	s28 =	smul.u32 $0x3E8, s25;
	s29 =	sadd.s32 $0xFFFF8080, s22  }
0x18: {  	[tilespmem:s19+$0x1830 ss:$0x81] =	vst.msk $0xffff, v59;
	p1 =	sgt.s32 s27, $0x7F;
	s22 =	ssub.s32 $0x8000, s22;
	p2 =	sgt.s32 s29, $0x7F  }
0x19: {  	s30 =	sand.u32 $0x7, s10;
	[tilespmem:s19+$0x2040 ss:$0x81] =	vst.msk $0xffff, v60;
	s18 =	simm.s32 @p1 $0x0;
	s22 =	simm.s32 @p2 $0x0  }
0x1a: {  	s20 =	sshrl.u32 s20, $0x3;
	[tilespmem:s19+$0x2850 ss:$0x81] =	vst.msk $0xffff, v61;
	s17 =	ssub.s32 s21, s28;
	s18 =	smul.u32 s22, s18  }
0x1b: {  	[tilespmem:s19+$0x3060 ss:$0x81] =	vst.msk $0xffff, v62;
	s20 =	sadd.s32 s3, s20;
	s21 =	sshll.u32 s30, $0x12;
	s17 =	sshll.u32 s17, $0xC  }
0x1c: {  	[tilespmem:s19+$0x0 ss:$0x81] =	vst.msk $0xffff, v63;
	s31 =	sor.u32 $0x400, s21;
	s17 =	sadd.s32 s17, s20;
	s18 =	sand.u32 $0x3FFFFFFF, s18  }
0x1d: {  	[hbm4b:s17+s31] =	stream.strided.scatter [tilespmem:s16], [sflag:$0x2], s18, s8, s31, $0x20;
	[tilespmem:$0x10100] =	vst v63  }
.LBB1_5:
0x1e: {  	p1 =	slt.u32 s13, $0x2  }
0x1f: {  	s17 =	smov.u32 s15;
	p2 =	sgt.s32 @!p1 s15, $0x368;
	s16 =	sshra.s32 @!p1 s15, $0x1F  }
0x20: {  	p3 =	sgt.s32 @!p1 s14, $0x7F80;
	s18 =	sshra.s32 @!p1 s14, $0x1F;
	p2 =	por !p2, p1  }
0x21: {  	s15 =	sand.u32 @!p1 s16, s15;
	p3 =	por !p3, p1;
	s16 =	smov.u32 s14  }
0x22: {  	s14 =	sand.u32 @!p1 s18, s14;
	s17 =	simm.s32 @p2 $0x368;
	s16 =	simm.s32 @p3 $0x7F80  }
0x23: {  	s15 =	ssub.s32 @!p1 s17, s15;
	s14 =	ssub.s32 @!p1 s16, s14  }
0x24: {  	s18 =	smov.u32 s12;
	s16 =	sadd.s32 @!p1 $0xFFFFFC98, s15;
	s17 =	sadd.s32 @!p1 $0xFFFF8080, s14  }
0x25: {  	s15 =	ssub.s32 @!p1 $0x3E8, s15;
	p2 =	sgt.s32 @!p1 s16, $0x7F;
	p3 =	sgt.s32 @!p1 s17, $0x7F  }
0x26: {  	s14 =	ssub.s32 @!p1 $0x8000, s14;
	p2 =	por !p2, p1;
	p3 =	por !p3, p1  }
0x27: {  	s16 =	sadd.s32 $0x80, s11;
	s15 =	simm.s32 @!p2 $0x0;
	s14 =	simm.s32 @!p3 $0x0  }
0x28: {  	p2 =	sgt.s32 s16, $0x3E7;
	s14 =	smul.u32 @!p1 s14, s15;
	s15 =	sadd.s32 $0x1000, s12  }
0x29: {  	s18 =	smov.u32 @p2 s15  }
0x2a: {  	s16 =	simm.s32 @p2 $0x0;
	p2 =	sgt.s32 s18, $0x7FFF  }
0x2b: {  	s18 =	smov.u32 @p2 s2;
	p2 =	sne.s32 s13, s7  }
.Ltmp1:
0x2c: {  	p0 =	por !p0, !p0;
	s17 =	simm.s32 @!p1 $0x2;
	(pc) =	sbr.rel @!p2 .LBB1_6-.Ltmp1, $4  }
0x2d: {  	s15 =	smov.u32 s9;
	s9 =	smov.u32 s11;
	s14 =	sand.u32 @!p1 $0x3FFFFFFF, s14  }
0x2e: {  	s11 =	smov.u32 s16;
	_ =	swait.ge @!p1 [sflag:s17], s14;
	s19 =	ssub.s32 @!p1 $0x0, s14  }
0x2f: {  	s14 =	smov.u32 s10;
	s13 =	sadd.s32 $0x1, s13;
	[sflag:s17] =	ssyncset.done @!p1 $0x0  }
0x30: {  	s10 =	smov.u32 s12;
	s12 =	smov.u32 s18;
	[sflag:s17] =	ssyncadd.s32 @!p1 s19  }
.LBB1_1:
0x31: {  	p1 =	sge.u32 s13, s6  }
0x32: {  	s31 =	sadd.s32 $0xFFFFFFFF, s13;
	s16 =	sshll.u32 @!p1 s12, $0xA  }
0x33: {  	s17 =	sshll.u32 @!p1 s11, $0x3;
	s18 =	sshll.u32 @!p1 s12, $0x7;
	s16 =	sand.u32 @!p1 $0x1FFE000, s16  }
0x34: {  	s19 =	sand.u32 @!p1 $0x78, s11;
	s16 =	sadd.s32 @!p1 s16, s17;
	s17 =	sand.u32 @!p1 $0x380, s18  }
0x35: {  	s18 =	sxor.u32 @!p1 $0xFFFFFFFF, s13;
	s16 =	sand.u32 @!p1 $0x1FFFC00, s16;
	s17 =	sor.u32 @!p1 s17, s19  }
0x36: {  	s18 =	sshll.u32 @!p1 s18, $0xE;
	s16 =	sor.u32 @!p1 s16, s17;
	s17 =	sand.u32 @!p1 $0x7, s11  }
0x37: {  	s19 =	simm.s32 @!p1 $0x2000;
	s16 =	sshrl.u32 @!p1 s16, $0x3;
	s17 =	sshll.u32 @!p1 s17, $0x12  }
0x38: {  	s18 =	sand.u32 @!p1 $0x4000, s18;
	s16 =	sadd.s32 @!p1 s5, s16;
	s17 =	sor.u32 @!p1 $0x400, s17  }
0x39: {  	[tilespmem:s18], [sflag:$0x1] =	stream.strided.gather @!p1 [hbm4b:s16+s17], $0x4000, s19, s17, $0x38;
	[tilespmem:$0x10100] =	vst v63  }
0x3a: {  	p1 =	sge.u32 s31, s6  }
.Ltmp2:
0x3b: {  	_ = 	snop;
	(pc) =	sbr.rel @p1 .LBB1_5-.Ltmp2, $1  }
0x3c: {  	_ =	sdelay $0x3  }
0x3d: {  	s16 =	simm.s32 $0x1  }
0x3e: {  	_ =	swait.ge [sflag:s4], $0x4000;
	s16 =	simm.s32 @!p0 $0x0  }
0x3f: {  	[sflag:s4] =	ssyncset.done $0x0;
	s17 =	sshll.u32 s16, $0xE  }
0x40: {  	[sflag:s4] =	ssyncadd.s32 $0xFFFFC000;
	s17 =	sor.u32 $0x40, s17  }
0x41: {  	s16 =	smul.u32 $0x10200, s16;
	v0 =	vld [tilespmem:s17+$0x30]  }
0x42: {  	v1 =	vld [tilespmem:s17+$0xFFFFFFD0]  }
0x43: {  	s16 =	sshrl.u32 s16, $0x2;
	v5 =	vld [tilespmem:s17+$0xFFFFFFE0]  }
0x44: {  	v6 =	vld [tilespmem:s17+$0xFFFFFFF0];
	s19 =	sor.u32 $0x8000, s16  }
0x45: {  	s31 =	sand.u32 $0x1, s13;
	v4 =	vld [tilespmem:s17+$0x0];
	s18 =	sadd.s32 $0x0, s19  }
0x46: {  	v3 =	vld [tilespmem:s17+$0x10];
	s16 =	smul.u32 $0x10200, s31;
	[tilespmem:s18+$0x3870 ss:$0x81] =	vst.msk $0xffff, v0  }
0x47: {  	v2 =	vld [tilespmem:s17+$0x20];
	[tilespmem:s18+$0x810 ss:$0x81] =	vst.msk $0xffff, v1  }
0x48: {  	s16 =	sshrl.u32 s16, $0x2;
	v1 =	vld [tilespmem:s17+$0xFFFFFFC0];
	[tilespmem:s18+$0x1020 ss:$0x81] =	vst.msk $0xffff, v5;
	s17 =	sadd.s32 $0x80, s17  }
0x49: {  	s20 =	simm.s32 $0x4;
	s21 =	simm.s32 $0x8;
	s16 =	sor.u32 $0x8000, s16;
	[tilespmem:s18+$0x1830 ss:$0x81] =	vst.msk $0xffff, v6;
	v0 =	vld [tilespmem:s17+$0x30]  }
.LBB1_3:
0x4a: {  	p1 =	sne.s32 s21, $0x1FC;
	v5 =	vld [tilespmem:s17+$0xFFFFFFD0];
	[tilespmem:s18+$0x2040 ss:$0x81] =	vst.msk $0xffff, v4  }
0x4b: {  	v6 =	vld [tilespmem:s17+$0xFFFFFFE0];
	[tilespmem:s18+$0x2850 ss:$0x81] =	vst.msk $0xffff, v3  }
0x4c: {  	s22 =	sshra.s32 s20, $0x2;
	s20 =	smov.u32 s21;
	v7 =	vld [tilespmem:s17+$0xFFFFFFF0];
	[tilespmem:s18+$0x3060 ss:$0x81] =	vst.msk $0xffff, v2  }
.Ltmp3:
0x4d: {  	v4 =	vld [tilespmem:s17+$0x0];
	[tilespmem:s18+$0x0 ss:$0x81] =	vst.msk $0xffff, v1;
	s18 =	sadd.s32 s22, s19;
	(pc) =	sbr.rel @p1 .LBB1_3-.Ltmp3, $4  }
0x4e: {  	v3 =	vld [tilespmem:s17+$0x10];
	[tilespmem:s18+$0x3870 ss:$0x81] =	vst.msk $0xffff, v0  }
0x4f: {  	[tilespmem:s18+$0x810 ss:$0x81] =	vst.msk $0xffff, v5;
	v2 =	vld [tilespmem:s17+$0x20]  }
0x50: {  	v1 =	vld [tilespmem:s17+$0xFFFFFFC0];
	[tilespmem:s18+$0x1020 ss:$0x81] =	vst.msk $0xffff, v6;
	s17 =	sadd.s32 $0x80, s17  }
0x51: {  	s21 =	sadd.s32 $0x4, s21;
	v0 =	vld [tilespmem:s17+$0x30];
	[tilespmem:s18+$0x1830 ss:$0x81] =	vst.msk $0xffff, v7  }
.Ltmp4:
0x52: {  	_ = 	snop;
	(pc) =	sbr.rel .LBB1_4-.Ltmp4, $1  }
0x53: {  	_ =	sdelay $0x3  }
.LBB1_6:
0x54: {  	_ =	sfence.sel $0x180000  }
0x55: {  	s2 =	simm.s32 $0x1;
	[bflag:$0x0] =	sbarrier.arrive $0xFFFF  }
0x56: {  	s31 =	simm.s32 $0x2;
	[sflag:s2] =	ssyncpa.u1 $0x1  }
0x57: {  	[sflag:s31] =	ssyncpa.u1 $0x1  }
0x58: {  	p0 =	sne.s32 s0, $0x0;
	_ =	strace $0x90000047  }
0x59: {  	s0 =	sadd.s32 @!p0 $0x100000, s1;
	[bflag:$0x2] =	sbarrier.arrive $0xFFFF  }
0x5a: {  	[sflag:s0] =	ssyncadd.tile.s32 @!p0 $0x1;
	_ =	shalt  }
.Lfunc_end1:
_tile_overlayer_lowered:
.L_overlay_start_2:
0x5b: {  	(tag) =	ssettag $0x2  }
0x5c: {  	s0 =	rddreg [dreg:$0x0];
	s2 =	stileid.u32  }
0x5d: {  	s1 =	rddreg [dreg:$0x1];
	p0 =	sne.s32 s2, $0x0  }
0x5e: {  	s3 =	rddreg [dreg:$0x2];
	[bflag:$0x3] =	sbarrier.arrive $0xFFFF;
	s2 =	simm.s32 @!p0 $0x1C01  }
0x5f: {  	[timem:s3], [sflag:s2] =	dma.local @!p0 [hbm:s0], s1  }
0x60: {  	s0 =	simm.s32 @!p0 $0x1  }
0x61: {  	_ =	swait.ge @!p0 [sflag:s0], s1  }
0x62: {  	s1 =	ssub.s32 @!p0 $0x0, s1;
	[sflag:s0] =	ssyncset.done @!p0 $0x0  }
0x63: {  	[sflag:s0] =	ssyncadd.s32 @!p0 s1  }
0x64: {  	[bflag:$0x3] =	sbarrier.arrive $0xFFFF  }
0x65: {  	_ =	shalt  }

</sc_bundles>
